<compile_context>
chip_gen: v7x
topology: tpu7x:2x2x1
jax: 0.10.2.dev20260603
libtpu: 0.0.44.dev20260713+nightly
codegen_flags: <defaults>
</compile_context>

<pallas_src>
import functools

import jax
import jax.numpy as jnp
from jax import lax
from jax.experimental import pallas as pl
from jax.experimental.pallas import tpu as pltpu
from jax.experimental.pallas import tpu_sc as plsc

B, S, H, D = 4, 4096, 8, 64
DP = 128
TOTAL_ROWS = 800000
NC, NS, L = 2, 16, 16
NW = NC * NS
TOTAL = B * S * H
BPW = TOTAL // NW
CHUNK = 256
NCHUNK = BPW // CHUNK
NBUF = 2


def _sc_gather(ids_flat, table_pad, offs16):
    mesh = plsc.VectorSubcoreMesh(core_axis_name="c", subcore_axis_name="s")

    @functools.partial(
        pl.kernel,
        mesh=mesh,
        out_type=jax.ShapeDtypeStruct((TOTAL, DP), jnp.float32),
        scratch_types=[
            pltpu.VMEM((BPW,), jnp.int32),
            pltpu.VMEM((L,), jnp.int32),
            pltpu.VMEM((NBUF, CHUNK, DP), jnp.float32),
            pltpu.SemaphoreType.DMA,
            pltpu.SemaphoreType.DMA,
            pltpu.SemaphoreType.DMA,
            pltpu.SemaphoreType.DMA,
        ],
        compiler_params=pltpu.CompilerParams(use_tc_tiling_on_sc=False),
    )
    def k(ids_hbm, table_hbm, offs_hbm, out_hbm, idx_v, off_v, rows_v,
          g0, g1, w0, w1):
        gsem = (g0, g1)
        wsem = (w0, w1)
        wid = lax.axis_index("s") * NC + lax.axis_index("c")
        base = wid * BPW
        pltpu.sync_copy(ids_hbm.at[pl.ds(base, BPW)], idx_v)
        pltpu.sync_copy(offs_hbm, off_v)
        off = off_v[...]

        def add_body(i, carry):
            sl = pl.ds(i * L, L)
            idx_v[sl] = idx_v[sl] + off
            return carry

        lax.fori_loop(0, BPW // L, add_body, 0)

        def start_gather(c, b):
            pltpu.async_copy(
                table_hbm.at[idx_v.at[pl.ds(c * CHUNK, CHUNK)]],
                rows_v.at[b], gsem[b],
            )

        def wait_gather(c, b):
            pltpu.make_async_copy(
                table_hbm.at[idx_v.at[pl.ds(c * CHUNK, CHUNK)]],
                rows_v.at[b], gsem[b],
            ).wait()

        def start_write(c, b):
            pltpu.async_copy(
                rows_v.at[b], out_hbm.at[pl.ds(base + c * CHUNK, CHUNK)],
                wsem[b],
            )

        def wait_write(c, b):
            pltpu.make_async_copy(
                rows_v.at[b], out_hbm.at[pl.ds(base + c * CHUNK, CHUNK)],
                wsem[b],
            ).wait()

        for j in range(NBUF - 1):
            start_gather(j, j)

        def ring_body(g2, carry):
            for b in range(NBUF):
                c = g2 * NBUF + b
                pb = (b - 1) % NBUF

                @pl.when(c + NBUF - 1 < NCHUNK)
                def _():
                    @pl.when(c >= 1)
                    def _():
                        wait_write(c - 1, pb)

                    start_gather(c + NBUF - 1, pb)

                wait_gather(c, b)
                start_write(c, b)
            return carry

        lax.fori_loop(0, NCHUNK // NBUF, ring_body, 0)
        for i in range(NBUF):
            c = NCHUNK - NBUF + i
            wait_write(c, c % NBUF)

    return k(ids_flat, table_pad, offs16)


def kernel(input_ids, table, offsets):
    ids = input_ids.astype(jnp.int32).reshape(TOTAL)
    offs16 = jnp.tile(offsets.astype(jnp.int32), L // H)
    table_pad = jnp.concatenate(
        [table, jnp.zeros((TOTAL_ROWS, DP - D), jnp.float32)], axis=1)
    out_pad = _sc_gather(ids, table_pad, offs16)
    return out_pad.reshape(B, S, H, DP)[..., :D]

# --- scband reference (transcript-rebuilt; emitter-appended) ---
"""Pipeline reference for scband-multi-head-embedding-13683765805195 (READ-ONLY COPY).

The authoritative reference and input builder live on the scoring server;
editing this copy changes nothing except your own understanding.
"""

import jax, jax.numpy as jnp
import numpy as np

LIST_OF_N = [100000] * 8
D = 64
BATCH = 4
SEQ = 4096
NUM_HEADS = len(LIST_OF_N)
TOTAL_N = sum(LIST_OF_N)


def setup_inputs(seed: int = 0) -> dict:
    key = jax.random.key(seed)
    k_ids, k_tab = jax.random.split(key)
    # per-head token ids in [0, N_h); all heads share N=100000 here
    input_ids = jax.random.randint(k_ids, (BATCH, SEQ, NUM_HEADS), 0, LIST_OF_N[0], dtype=jnp.int64)
    # concatenated multi-head embedding table (the 'store' contents)
    table = jax.random.normal(k_tab, (TOTAL_N, D), dtype=jnp.float32) * 0.02
    # offsets buffer: cumulative start of each head's vocab range
    offs = [0]
    for n in LIST_OF_N[:-1]:
        offs.append(offs[-1] + n)
    offsets = jnp.array(offs, dtype=jnp.int64)
    return {"input_ids": input_ids, "table": table, "offsets": offsets}


def reference(input_ids, table, offsets):
    # shift per-head ids into the concatenated table's row space
    shifted = input_ids + offsets  # broadcast over last dim (num_heads)
    # store.get_many == row gather from the concatenated table
    out = jnp.take(table, shifted, axis=0)  # [B, S, H, D]
    return out

if __name__ == "__main__":
    import jax
    _d = setup_inputs()
    print(jax.jit(kernel)(*tuple(_d.values())))

</pallas_src>

<mosaic_0001>
#map = affine_map<(d0, d1) -> (0)>
#map1 = affine_map<(d0, d1) -> (0, 0)>
module attributes {stable_mosaic.version = 14 : i64} {
  func.func @k(%arg0: i32, %arg1: i32, %arg2: memref<131072xi32, #tpu.memory_space<hbm>>, %arg3: memref<800000x128xf32, #tpu.memory_space<hbm>>, %arg4: memref<16xi32, #tpu.memory_space<hbm>>, %arg5: memref<131072x128xf32, #tpu.memory_space<hbm>>, %arg6: memref<4096xi32, #tpu.memory_space<vmem>>, %arg7: memref<16xi32, #tpu.memory_space<vmem>>, %arg8: memref<2x256x128xf32, #tpu.memory_space<vmem>>, %arg9: memref<!tpu.dma_semaphore, #tpu.memory_space<semaphore_mem>>, %arg10: memref<!tpu.dma_semaphore, #tpu.memory_space<semaphore_mem>>, %arg11: memref<!tpu.dma_semaphore, #tpu.memory_space<semaphore_mem>>, %arg12: memref<!tpu.dma_semaphore, #tpu.memory_space<semaphore_mem>>) attributes {dimension_semantics = [#tpu.dimension_semantics<core_parallel>, #tpu.dimension_semantics<subcore_parallel>], iteration_bounds = array<i64: 2, 16>, scalar_prefetch = 0 : i64, scratch_operands = 7 : i64, tpu.core_type = #tpu.core_type<sc_vector_subcore>, window_params = [{transform_indices = #map}, {transform_indices = #map1}, {transform_indices = #map}, {transform_indices = #map1}]} {
    %mul3A = arith.constant 2 : i32
    %mul3A_0 = arith.muli %arg1, %mul3A : i32
    %add3A = arith.addi %mul3A_0, %arg0 : i32
    %mul3A_1 = arith.constant 4096 : i32
    %mul3A_2 = arith.muli %add3A, %mul3A_1 : i32
    "tpu.region"() ({
      %run_scoped3A = tpu.sem_alloc : memref<!tpu.dma_semaphore, #tpu.memory_space<semaphore_mem>>
      %dma_start3A_54 = tpu.memref_slice %arg2[%mul3A_2] : memref<131072xi32, #tpu.memory_space<hbm>> -> memref<4096xi32, #tpu.memory_space<hbm>>
      %dma_start3A_55 = tpu.memref_slice %arg2[%mul3A_2] : memref<131072xi32, #tpu.memory_space<hbm>> -> memref<4096xi32, #tpu.memory_space<hbm>>
      tpu.enqueue_dma source(%dma_start3A_55 : memref<4096xi32, #tpu.memory_space<hbm>>) target(%arg6 : memref<4096xi32, #tpu.memory_space<vmem>>) target_semaphore(%run_scoped3A : memref<!tpu.dma_semaphore, #tpu.memory_space<semaphore_mem>>)
      %dma_wait3A_56 = tpu.memref_slice %arg2[%mul3A_2] : memref<131072xi32, #tpu.memory_space<hbm>> -> memref<4096xi32, #tpu.memory_space<hbm>>
      %dma_wait3A_57 = tpu.memref_slice %arg2[%mul3A_2] : memref<131072xi32, #tpu.memory_space<hbm>> -> memref<4096xi32, #tpu.memory_space<hbm>>
      tpu.wait_dma2 semaphore(%run_scoped3A : memref<!tpu.dma_semaphore, #tpu.memory_space<semaphore_mem>>) src(%dma_wait3A_57 : memref<4096xi32, #tpu.memory_space<hbm>>) dst(%arg6 : memref<4096xi32, #tpu.memory_space<vmem>>)
      tpu.yield
    }) : () -> ()
    "tpu.region"() ({
      %run_scoped3A = tpu.sem_alloc : memref<!tpu.dma_semaphore, #tpu.memory_space<semaphore_mem>>
      tpu.enqueue_dma source(%arg4 : memref<16xi32, #tpu.memory_space<hbm>>) target(%arg7 : memref<16xi32, #tpu.memory_space<vmem>>) target_semaphore(%run_scoped3A : memref<!tpu.dma_semaphore, #tpu.memory_space<semaphore_mem>>)
      tpu.wait_dma2 semaphore(%run_scoped3A : memref<!tpu.dma_semaphore, #tpu.memory_space<semaphore_mem>>) src(%arg4 : memref<16xi32, #tpu.memory_space<hbm>>) dst(%arg7 : memref<16xi32, #tpu.memory_space<vmem>>)
      tpu.yield
    }) : () -> ()
    %get3A = arith.constant 0 : index
    %get3A_3 = tpu.vector_load %arg7[%get3A] {strides = array<i32>} : memref<16xi32, #tpu.memory_space<vmem>>, vector<16xi32>,
    %get3A_4 = vector.shape_cast %get3A_3 : vector<16xi32> to vector<16xi32>
    %scan3A = arith.constant 0 : i32
    %scan3A_5 = arith.constant 0 : i32
    %scan3A_6 = arith.constant 256 : i32
    %scan3A_7 = arith.addi %scan3A_5, %scan3A_6 : i32
    %scan3A_8 = arith.constant 1 : i32
    scf.for %scan3A_54 = %scan3A_5 to %scan3A_7 step %scan3A_8  : i32 {
      %mul3A_55 = arith.constant 16 : i32
      %mul3A_56 = arith.muli %scan3A_54, %mul3A_55 : i32
      %get3A_57 = arith.index_cast %mul3A_56 : i32 to index
      %get3A_58 = tpu.vector_load %arg6[%get3A_57] {strides = array<i32>} : memref<4096xi32, #tpu.memory_space<vmem>>, vector<16xi32>,
      %get3A_59 = vector.shape_cast %get3A_58 : vector<16xi32> to vector<16xi32>
      %add3A_60 = arith.addi %get3A_59, %get3A_4 : vector<16xi32>
      %swap3A = arith.index_cast %mul3A_56 : i32 to index
      %swap3A_61 = tpu.vector_load %arg6[%swap3A] {strides = array<i32>} : memref<4096xi32, #tpu.memory_space<vmem>>, vector<16xi32>,
      %swap3A_62 = vector.shape_cast %swap3A_61 : vector<16xi32> to vector<16xi32>
      %swap3A_63 = vector.shape_cast %add3A_60 : vector<16xi32> to vector<16xi32>
      tpu.vector_store %arg6[%swap3A], %swap3A_63 {strides = array<i32>} : memref<4096xi32, #tpu.memory_space<vmem>>, vector<16xi32>,
    }
    %scan3A_9 = arith.constant 256 : i32
    %dma_start3A = arith.constant 0 : i32
    %dma_start3A_10 = arith.constant 0 : i32
    %dma_start3A_11 = arith.constant 0 : i32
    %dma_start3A_12 = tpu.memref_slice %arg8[%dma_start3A, %dma_start3A_10, %dma_start3A_11] : memref<2x256x128xf32, #tpu.memory_space<vmem>> -> memref<1x256x128xf32, #tpu.memory_space<vmem>>
    %dma_start3A_13 = tpu.memref_squeeze %dma_start3A_12 : memref<1x256x128xf32, #tpu.memory_space<vmem>> -> memref<256x128xf32, #tpu.memory_space<vmem>>
    %dma_start3A_14 = arith.constant 0 : i32
    %dma_start3A_15 = tpu.memref_slice %arg6[%dma_start3A_14] : memref<4096xi32, #tpu.memory_space<vmem>> -> memref<256xi32, #tpu.memory_space<vmem>>
    %dma_start3A_16 = arith.constant 0 : i32
    %dma_start3A_17 = arith.constant 0 : i32
    %dma_start3A_18 = tpu.memref_slice %arg3[%dma_start3A_16, %dma_start3A_17] : memref<800000x128xf32, #tpu.memory_space<hbm>> -> memref<800000x128xf32, #tpu.memory_space<hbm>>
    tpu.enqueue_indirect_dma source(%dma_start3A_18 : memref<800000x128xf32, #tpu.memory_space<hbm>>) target(%dma_start3A_13 : memref<256x128xf32, #tpu.memory_space<vmem>>) offsets(%dma_start3A_15 : memref<256xi32, #tpu.memory_space<vmem>>) semaphore(%arg9 : memref<!tpu.dma_semaphore, #tpu.memory_space<semaphore_mem>>)
    %scan3A_19 = arith.constant 0 : i32
    %scan3A_20 = arith.constant 0 : i32
    %scan3A_21 = arith.constant 8 : i32
    %scan3A_22 = arith.addi %scan3A_20, %scan3A_21 : i32
    %scan3A_23 = arith.constant 1 : i32
    scf.for %scan3A_54 = %scan3A_20 to %scan3A_22 step %scan3A_23  : i32 {
      %mul3A_55 = arith.constant 2 : i32
      %mul3A_56 = arith.muli %scan3A_54, %mul3A_55 : i32
      %add3A_57 = arith.constant 0 : i32
      %add3A_58 = arith.addi %mul3A_56, %add3A_57 : i32
      %add3A_59 = arith.constant 2 : i32
      %add3A_60 = arith.addi %add3A_58, %add3A_59 : i32
      %sub3A = arith.constant 1 : i32
      %sub3A_61 = arith.subi %add3A_60, %sub3A : i32
      %lt3A = arith.constant 16 : i32
      %lt3A_62 = arith.cmpi slt, %sub3A_61, %lt3A : i32
      %convert_element_type3A = arith.extui %lt3A_62 : i1 to i32
      %cond3A = arith.constant 0 : i32
      %cond3A_63 = arith.cmpi ne, %convert_element_type3A, %cond3A : i32
      scf.if %cond3A_63 {
        %ge3A = arith.constant 1 : i32
        %ge3A_131 = arith.cmpi sge, %add3A_58, %ge3A : i32
        %convert_element_type3A_132 = arith.extui %ge3A_131 : i1 to i32
        %cond3A_133 = arith.constant 0 : i32
        %cond3A_134 = arith.cmpi ne, %convert_element_type3A_132, %cond3A_133 : i32
        scf.if %cond3A_134 {
          %sub3A_150 = arith.constant 1 : i32
          %sub3A_151 = arith.subi %add3A_58, %sub3A_150 : i32
          %mul3A_152 = arith.constant 256 : i32
          %mul3A_153 = arith.muli %sub3A_151, %mul3A_152 : i32
          %add3A_154 = arith.addi %mul3A_2, %mul3A_153 : i32
          %dma_wait3A_155 = arith.constant 1 : i32
          %dma_wait3A_156 = arith.constant 0 : i32
          %dma_wait3A_157 = arith.constant 0 : i32
          %dma_wait3A_158 = tpu.memref_slice %arg8[%dma_wait3A_155, %dma_wait3A_156, %dma_wait3A_157] : memref<2x256x128xf32, #tpu.memory_space<vmem>> -> memref<1x256x128xf32, #tpu.memory_space<vmem>>
          %dma_wait3A_159 = tpu.memref_squeeze %dma_wait3A_158 : memref<1x256x128xf32, #tpu.memory_space<vmem>> -> memref<256x128xf32, #tpu.memory_space<vmem>>
          %dma_wait3A_160 = arith.constant 0 : i32
          %dma_wait3A_161 = tpu.memref_slice %arg5[%add3A_154, %dma_wait3A_160] : memref<131072x128xf32, #tpu.memory_space<hbm>> -> memref<256x128xf32, #tpu.memory_space<hbm>>
          %dma_wait3A_162 = arith.constant 0 : i32
          %dma_wait3A_163 = tpu.memref_slice %arg5[%add3A_154, %dma_wait3A_162] : memref<131072x128xf32, #tpu.memory_space<hbm>> -> memref<256x128xf32, #tpu.memory_space<hbm>>
          %dma_wait3A_164 = arith.constant 0 : i32
          %dma_wait3A_165 = arith.constant 0 : i32
          %dma_wait3A_166 = tpu.memref_slice %arg8[%dma_wait3A_155, %dma_wait3A_164, %dma_wait3A_165] : memref<2x256x128xf32, #tpu.memory_space<vmem>> -> memref<1x256x128xf32, #tpu.memory_space<vmem>>
          %dma_wait3A_167 = tpu.memref_squeeze %dma_wait3A_166 : memref<1x256x128xf32, #tpu.memory_space<vmem>> -> memref<256x128xf32, #tpu.memory_space<vmem>>
          tpu.wait_dma2 semaphore(%arg12 : memref<!tpu.dma_semaphore, #tpu.memory_space<semaphore_mem>>) src(%dma_wait3A_167 : memref<256x128xf32, #tpu.memory_space<vmem>>) dst(%dma_wait3A_163 : memref<256x128xf32, #tpu.memory_space<hbm>>)
        } else {
        }
        %add3A_135 = arith.constant 2 : i32
        %add3A_136 = arith.addi %add3A_58, %add3A_135 : i32
        %sub3A_137 = arith.constant 1 : i32
        %sub3A_138 = arith.subi %add3A_136, %sub3A_137 : i32
        %mul3A_139 = arith.constant 256 : i32
        %mul3A_140 = arith.muli %sub3A_138, %mul3A_139 : i32
        %dma_start3A_141 = arith.constant 1 : i32
        %dma_start3A_142 = arith.constant 0 : i32
        %dma_start3A_143 = arith.constant 0 : i32
        %dma_start3A_144 = tpu.memref_slice %arg8[%dma_start3A_141, %dma_start3A_142, %dma_start3A_143] : memref<2x256x128xf32, #tpu.memory_space<vmem>> -> memref<1x256x128xf32, #tpu.memory_space<vmem>>
        %dma_start3A_145 = tpu.memref_squeeze %dma_start3A_144 : memref<1x256x128xf32, #tpu.memory_space<vmem>> -> memref<256x128xf32, #tpu.memory_space<vmem>>
        %dma_start3A_146 = tpu.memref_slice %arg6[%mul3A_140] : memref<4096xi32, #tpu.memory_space<vmem>> -> memref<256xi32, #tpu.memory_space<vmem>>
        %dma_start3A_147 = arith.constant 0 : i32
        %dma_start3A_148 = arith.constant 0 : i32
        %dma_start3A_149 = tpu.memref_slice %arg3[%dma_start3A_147, %dma_start3A_148] : memref<800000x128xf32, #tpu.memory_space<hbm>> -> memref<800000x128xf32, #tpu.memory_space<hbm>>
        tpu.enqueue_indirect_dma source(%dma_start3A_149 : memref<800000x128xf32, #tpu.memory_space<hbm>>) target(%dma_start3A_145 : memref<256x128xf32, #tpu.memory_space<vmem>>) offsets(%dma_start3A_146 : memref<256xi32, #tpu.memory_space<vmem>>) semaphore(%arg10 : memref<!tpu.dma_semaphore, #tpu.memory_space<semaphore_mem>>)
      } else {
      }
      %mul3A_64 = arith.constant 256 : i32
      %mul3A_65 = arith.muli %add3A_58, %mul3A_64 : i32
      %dma_wait3A_66 = arith.constant 0 : i32
      %dma_wait3A_67 = arith.constant 0 : i32
      %dma_wait3A_68 = arith.constant 0 : i32
      %dma_wait3A_69 = tpu.memref_slice %arg8[%dma_wait3A_66, %dma_wait3A_67, %dma_wait3A_68] : memref<2x256x128xf32, #tpu.memory_space<vmem>> -> memref<1x256x128xf32, #tpu.memory_space<vmem>>
      %dma_wait3A_70 = tpu.memref_squeeze %dma_wait3A_69 : memref<1x256x128xf32, #tpu.memory_space<vmem>> -> memref<256x128xf32, #tpu.memory_space<vmem>>
      %dma_wait3A_71 = tpu.memref_slice %arg6[%mul3A_65] : memref<4096xi32, #tpu.memory_space<vmem>> -> memref<256xi32, #tpu.memory_space<vmem>>
      %dma_wait3A_72 = arith.constant 0 : i32
      %dma_wait3A_73 = arith.constant 0 : i32
      %dma_wait3A_74 = tpu.memref_slice %arg3[%dma_wait3A_72, %dma_wait3A_73] : memref<800000x128xf32, #tpu.memory_space<hbm>> -> memref<800000x128xf32, #tpu.memory_space<hbm>>
      tpu.wait_indirect_dma semaphore(%arg9 : memref<!tpu.dma_semaphore, #tpu.memory_space<semaphore_mem>>) src(%dma_wait3A_74 : memref<800000x128xf32, #tpu.memory_space<hbm>>) dst(%dma_wait3A_70 : memref<256x128xf32, #tpu.memory_space<vmem>>)
      %mul3A_75 = arith.constant 256 : i32
      %mul3A_76 = arith.muli %add3A_58, %mul3A_75 : i32
      %add3A_77 = arith.addi %mul3A_2, %mul3A_76 : i32
      %dma_start3A_78 = arith.constant 0 : i32
      %dma_start3A_79 = arith.constant 0 : i32
      %dma_start3A_80 = arith.constant 0 : i32
      %dma_start3A_81 = tpu.memref_slice %arg8[%dma_start3A_78, %dma_start3A_79, %dma_start3A_80] : memref<2x256x128xf32, #tpu.memory_space<vmem>> -> memref<1x256x128xf32, #tpu.memory_space<vmem>>
      %dma_start3A_82 = tpu.memref_squeeze %dma_start3A_81 : memref<1x256x128xf32, #tpu.memory_space<vmem>> -> memref<256x128xf32, #tpu.memory_space<vmem>>
      %dma_start3A_83 = arith.constant 0 : i32
      %dma_start3A_84 = tpu.memref_slice %arg5[%add3A_77, %dma_start3A_83] : memref<131072x128xf32, #tpu.memory_space<hbm>> -> memref<256x128xf32, #tpu.memory_space<hbm>>
      %dma_start3A_85 = arith.constant 0 : i32
      %dma_start3A_86 = tpu.memref_slice %arg5[%add3A_77, %dma_start3A_85] : memref<131072x128xf32, #tpu.memory_space<hbm>> -> memref<256x128xf32, #tpu.memory_space<hbm>>
      %dma_start3A_87 = arith.constant 0 : i32
      %dma_start3A_88 = arith.constant 0 : i32
      %dma_start3A_89 = tpu.memref_slice %arg8[%dma_start3A_78, %dma_start3A_87, %dma_start3A_88] : memref<2x256x128xf32, #tpu.memory_space<vmem>> -> memref<1x256x128xf32, #tpu.memory_space<vmem>>
      %dma_start3A_90 = tpu.memref_squeeze %dma_start3A_89 : memref<1x256x128xf32, #tpu.memory_space<vmem>> -> memref<256x128xf32, #tpu.memory_space<vmem>>
      tpu.enqueue_dma source(%dma_start3A_90 : memref<256x128xf32, #tpu.memory_space<vmem>>) target(%dma_start3A_86 : memref<256x128xf32, #tpu.memory_space<hbm>>) target_semaphore(%arg11 : memref<!tpu.dma_semaphore, #tpu.memory_space<semaphore_mem>>)
      %mul3A_91 = arith.constant 2 : i32
      %mul3A_92 = arith.muli %scan3A_54, %mul3A_91 : i32
      %add3A_93 = arith.constant 1 : i32
      %add3A_94 = arith.addi %mul3A_92, %add3A_93 : i32
      %add3A_95 = arith.constant 2 : i32
      %add3A_96 = arith.addi %add3A_94, %add3A_95 : i32
      %sub3A_97 = arith.constant 1 : i32
      %sub3A_98 = arith.subi %add3A_96, %sub3A_97 : i32
      %lt3A_99 = arith.constant 16 : i32
      %lt3A_100 = arith.cmpi slt, %sub3A_98, %lt3A_99 : i32
      %convert_element_type3A_101 = arith.extui %lt3A_100 : i1 to i32
      %cond3A_102 = arith.constant 0 : i32
      %cond3A_103 = arith.cmpi ne, %convert_element_type3A_101, %cond3A_102 : i32
      scf.if %cond3A_103 {
        %ge3A = arith.constant 1 : i32
        %ge3A_131 = arith.cmpi sge, %add3A_94, %ge3A : i32
        %convert_element_type3A_132 = arith.extui %ge3A_131 : i1 to i32
        %cond3A_133 = arith.constant 0 : i32
        %cond3A_134 = arith.cmpi ne, %convert_element_type3A_132, %cond3A_133 : i32
        scf.if %cond3A_134 {
          %sub3A_150 = arith.constant 1 : i32
          %sub3A_151 = arith.subi %add3A_94, %sub3A_150 : i32
          %mul3A_152 = arith.constant 256 : i32
          %mul3A_153 = arith.muli %sub3A_151, %mul3A_152 : i32
          %add3A_154 = arith.addi %mul3A_2, %mul3A_153 : i32
          %dma_wait3A_155 = arith.constant 0 : i32
          %dma_wait3A_156 = arith.constant 0 : i32
          %dma_wait3A_157 = arith.constant 0 : i32
          %dma_wait3A_158 = tpu.memref_slice %arg8[%dma_wait3A_155, %dma_wait3A_156, %dma_wait3A_157] : memref<2x256x128xf32, #tpu.memory_space<vmem>> -> memref<1x256x128xf32, #tpu.memory_space<vmem>>
          %dma_wait3A_159 = tpu.memref_squeeze %dma_wait3A_158 : memref<1x256x128xf32, #tpu.memory_space<vmem>> -> memref<256x128xf32, #tpu.memory_space<vmem>>
          %dma_wait3A_160 = arith.constant 0 : i32
          %dma_wait3A_161 = tpu.memref_slice %arg5[%add3A_154, %dma_wait3A_160] : memref<131072x128xf32, #tpu.memory_space<hbm>> -> memref<256x128xf32, #tpu.memory_space<hbm>>
          %dma_wait3A_162 = arith.constant 0 : i32
          %dma_wait3A_163 = tpu.memref_slice %arg5[%add3A_154, %dma_wait3A_162] : memref<131072x128xf32, #tpu.memory_space<hbm>> -> memref<256x128xf32, #tpu.memory_space<hbm>>
          %dma_wait3A_164 = arith.constant 0 : i32
          %dma_wait3A_165 = arith.constant 0 : i32
          %dma_wait3A_166 = tpu.memref_slice %arg8[%dma_wait3A_155, %dma_wait3A_164, %dma_wait3A_165] : memref<2x256x128xf32, #tpu.memory_space<vmem>> -> memref<1x256x128xf32, #tpu.memory_space<vmem>>
          %dma_wait3A_167 = tpu.memref_squeeze %dma_wait3A_166 : memref<1x256x128xf32, #tpu.memory_space<vmem>> -> memref<256x128xf32, #tpu.memory_space<vmem>>
          tpu.wait_dma2 semaphore(%arg11 : memref<!tpu.dma_semaphore, #tpu.memory_space<semaphore_mem>>) src(%dma_wait3A_167 : memref<256x128xf32, #tpu.memory_space<vmem>>) dst(%dma_wait3A_163 : memref<256x128xf32, #tpu.memory_space<hbm>>)
        } else {
        }
        %add3A_135 = arith.constant 2 : i32
        %add3A_136 = arith.addi %add3A_94, %add3A_135 : i32
        %sub3A_137 = arith.constant 1 : i32
        %sub3A_138 = arith.subi %add3A_136, %sub3A_137 : i32
        %mul3A_139 = arith.constant 256 : i32
        %mul3A_140 = arith.muli %sub3A_138, %mul3A_139 : i32
        %dma_start3A_141 = arith.constant 0 : i32
        %dma_start3A_142 = arith.constant 0 : i32
        %dma_start3A_143 = arith.constant 0 : i32
        %dma_start3A_144 = tpu.memref_slice %arg8[%dma_start3A_141, %dma_start3A_142, %dma_start3A_143] : memref<2x256x128xf32, #tpu.memory_space<vmem>> -> memref<1x256x128xf32, #tpu.memory_space<vmem>>
        %dma_start3A_145 = tpu.memref_squeeze %dma_start3A_144 : memref<1x256x128xf32, #tpu.memory_space<vmem>> -> memref<256x128xf32, #tpu.memory_space<vmem>>
        %dma_start3A_146 = tpu.memref_slice %arg6[%mul3A_140] : memref<4096xi32, #tpu.memory_space<vmem>> -> memref<256xi32, #tpu.memory_space<vmem>>
        %dma_start3A_147 = arith.constant 0 : i32
        %dma_start3A_148 = arith.constant 0 : i32
        %dma_start3A_149 = tpu.memref_slice %arg3[%dma_start3A_147, %dma_start3A_148] : memref<800000x128xf32, #tpu.memory_space<hbm>> -> memref<800000x128xf32, #tpu.memory_space<hbm>>
        tpu.enqueue_indirect_dma source(%dma_start3A_149 : memref<800000x128xf32, #tpu.memory_space<hbm>>) target(%dma_start3A_145 : memref<256x128xf32, #tpu.memory_space<vmem>>) offsets(%dma_start3A_146 : memref<256xi32, #tpu.memory_space<vmem>>) semaphore(%arg9 : memref<!tpu.dma_semaphore, #tpu.memory_space<semaphore_mem>>)
      } else {
      }
      %mul3A_104 = arith.constant 256 : i32
      %mul3A_105 = arith.muli %add3A_94, %mul3A_104 : i32
      %dma_wait3A_106 = arith.constant 1 : i32
      %dma_wait3A_107 = arith.constant 0 : i32
      %dma_wait3A_108 = arith.constant 0 : i32
      %dma_wait3A_109 = tpu.memref_slice %arg8[%dma_wait3A_106, %dma_wait3A_107, %dma_wait3A_108] : memref<2x256x128xf32, #tpu.memory_space<vmem>> -> memref<1x256x128xf32, #tpu.memory_space<vmem>>
      %dma_wait3A_110 = tpu.memref_squeeze %dma_wait3A_109 : memref<1x256x128xf32, #tpu.memory_space<vmem>> -> memref<256x128xf32, #tpu.memory_space<vmem>>
      %dma_wait3A_111 = tpu.memref_slice %arg6[%mul3A_105] : memref<4096xi32, #tpu.memory_space<vmem>> -> memref<256xi32, #tpu.memory_space<vmem>>
      %dma_wait3A_112 = arith.constant 0 : i32
      %dma_wait3A_113 = arith.constant 0 : i32
      %dma_wait3A_114 = tpu.memref_slice %arg3[%dma_wait3A_112, %dma_wait3A_113] : memref<800000x128xf32, #tpu.memory_space<hbm>> -> memref<800000x128xf32, #tpu.memory_space<hbm>>
      tpu.wait_indirect_dma semaphore(%arg10 : memref<!tpu.dma_semaphore, #tpu.memory_space<semaphore_mem>>) src(%dma_wait3A_114 : memref<800000x128xf32, #tpu.memory_space<hbm>>) dst(%dma_wait3A_110 : memref<256x128xf32, #tpu.memory_space<vmem>>)
      %mul3A_115 = arith.constant 256 : i32
      %mul3A_116 = arith.muli %add3A_94, %mul3A_115 : i32
      %add3A_117 = arith.addi %mul3A_2, %mul3A_116 : i32
      %dma_start3A_118 = arith.constant 1 : i32
      %dma_start3A_119 = arith.constant 0 : i32
      %dma_start3A_120 = arith.constant 0 : i32
      %dma_start3A_121 = tpu.memref_slice %arg8[%dma_start3A_118, %dma_start3A_119, %dma_start3A_120] : memref<2x256x128xf32, #tpu.memory_space<vmem>> -> memref<1x256x128xf32, #tpu.memory_space<vmem>>
      %dma_start3A_122 = tpu.memref_squeeze %dma_start3A_121 : memref<1x256x128xf32, #tpu.memory_space<vmem>> -> memref<256x128xf32, #tpu.memory_space<vmem>>
      %dma_start3A_123 = arith.constant 0 : i32
      %dma_start3A_124 = tpu.memref_slice %arg5[%add3A_117, %dma_start3A_123] : memref<131072x128xf32, #tpu.memory_space<hbm>> -> memref<256x128xf32, #tpu.memory_space<hbm>>
      %dma_start3A_125 = arith.constant 0 : i32
      %dma_start3A_126 = tpu.memref_slice %arg5[%add3A_117, %dma_start3A_125] : memref<131072x128xf32, #tpu.memory_space<hbm>> -> memref<256x128xf32, #tpu.memory_space<hbm>>
      %dma_start3A_127 = arith.constant 0 : i32
      %dma_start3A_128 = arith.constant 0 : i32
      %dma_start3A_129 = tpu.memref_slice %arg8[%dma_start3A_118, %dma_start3A_127, %dma_start3A_128] : memref<2x256x128xf32, #tpu.memory_space<vmem>> -> memref<1x256x128xf32, #tpu.memory_space<vmem>>
      %dma_start3A_130 = tpu.memref_squeeze %dma_start3A_129 : memref<1x256x128xf32, #tpu.memory_space<vmem>> -> memref<256x128xf32, #tpu.memory_space<vmem>>
      tpu.enqueue_dma source(%dma_start3A_130 : memref<256x128xf32, #tpu.memory_space<vmem>>) target(%dma_start3A_126 : memref<256x128xf32, #tpu.memory_space<hbm>>) target_semaphore(%arg12 : memref<!tpu.dma_semaphore, #tpu.memory_space<semaphore_mem>>)
    }
    %scan3A_24 = arith.constant 8 : i32
    %add3A_25 = arith.constant 3584 : i32
    %add3A_26 = arith.addi %mul3A_2, %add3A_25 : i32
    %dma_wait3A = arith.constant 0 : i32
    %dma_wait3A_27 = arith.constant 0 : i32
    %dma_wait3A_28 = arith.constant 0 : i32
    %dma_wait3A_29 = tpu.memref_slice %arg8[%dma_wait3A, %dma_wait3A_27, %dma_wait3A_28] : memref<2x256x128xf32, #tpu.memory_space<vmem>> -> memref<1x256x128xf32, #tpu.memory_space<vmem>>
    %dma_wait3A_30 = tpu.memref_squeeze %dma_wait3A_29 : memref<1x256x128xf32, #tpu.memory_space<vmem>> -> memref<256x128xf32, #tpu.memory_space<vmem>>
    %dma_wait3A_31 = arith.constant 0 : i32
    %dma_wait3A_32 = tpu.memref_slice %arg5[%add3A_26, %dma_wait3A_31] : memref<131072x128xf32, #tpu.memory_space<hbm>> -> memref<256x128xf32, #tpu.memory_space<hbm>>
    %dma_wait3A_33 = arith.constant 0 : i32
    %dma_wait3A_34 = tpu.memref_slice %arg5[%add3A_26, %dma_wait3A_33] : memref<131072x128xf32, #tpu.memory_space<hbm>> -> memref<256x128xf32, #tpu.memory_space<hbm>>
    %dma_wait3A_35 = arith.constant 0 : i32
    %dma_wait3A_36 = arith.constant 0 : i32
    %dma_wait3A_37 = tpu.memref_slice %arg8[%dma_wait3A, %dma_wait3A_35, %dma_wait3A_36] : memref<2x256x128xf32, #tpu.memory_space<vmem>> -> memref<1x256x128xf32, #tpu.memory_space<vmem>>
    %dma_wait3A_38 = tpu.memref_squeeze %dma_wait3A_37 : memref<1x256x128xf32, #tpu.memory_space<vmem>> -> memref<256x128xf32, #tpu.memory_space<vmem>>
    tpu.wait_dma2 semaphore(%arg11 : memref<!tpu.dma_semaphore, #tpu.memory_space<semaphore_mem>>) src(%dma_wait3A_38 : memref<256x128xf32, #tpu.memory_space<vmem>>) dst(%dma_wait3A_34 : memref<256x128xf32, #tpu.memory_space<hbm>>)
    %add3A_39 = arith.constant 3840 : i32
    %add3A_40 = arith.addi %mul3A_2, %add3A_39 : i32
    %dma_wait3A_41 = arith.constant 1 : i32
    %dma_wait3A_42 = arith.constant 0 : i32
    %dma_wait3A_43 = arith.constant 0 : i32
    %dma_wait3A_44 = tpu.memref_slice %arg8[%dma_wait3A_41, %dma_wait3A_42, %dma_wait3A_43] : memref<2x256x128xf32, #tpu.memory_space<vmem>> -> memref<1x256x128xf32, #tpu.memory_space<vmem>>
    %dma_wait3A_45 = tpu.memref_squeeze %dma_wait3A_44 : memref<1x256x128xf32, #tpu.memory_space<vmem>> -> memref<256x128xf32, #tpu.memory_space<vmem>>
    %dma_wait3A_46 = arith.constant 0 : i32
    %dma_wait3A_47 = tpu.memref_slice %arg5[%add3A_40, %dma_wait3A_46] : memref<131072x128xf32, #tpu.memory_space<hbm>> -> memref<256x128xf32, #tpu.memory_space<hbm>>
    %dma_wait3A_48 = arith.constant 0 : i32
    %dma_wait3A_49 = tpu.memref_slice %arg5[%add3A_40, %dma_wait3A_48] : memref<131072x128xf32, #tpu.memory_space<hbm>> -> memref<256x128xf32, #tpu.memory_space<hbm>>
    %dma_wait3A_50 = arith.constant 0 : i32
    %dma_wait3A_51 = arith.constant 0 : i32
    %dma_wait3A_52 = tpu.memref_slice %arg8[%dma_wait3A_41, %dma_wait3A_50, %dma_wait3A_51] : memref<2x256x128xf32, #tpu.memory_space<vmem>> -> memref<1x256x128xf32, #tpu.memory_space<vmem>>
    %dma_wait3A_53 = tpu.memref_squeeze %dma_wait3A_52 : memref<1x256x128xf32, #tpu.memory_space<vmem>> -> memref<256x128xf32, #tpu.memory_space<vmem>>
    tpu.wait_dma2 semaphore(%arg12 : memref<!tpu.dma_semaphore, #tpu.memory_space<semaphore_mem>>) src(%dma_wait3A_53 : memref<256x128xf32, #tpu.memory_space<vmem>>) dst(%dma_wait3A_49 : memref<256x128xf32, #tpu.memory_space<hbm>>)
    return
  }
}

</mosaic_0001>

<sc_bundles>
// kernel: kernel.3.cloned.1.call-start
scs
__scs_entry_jumppad:
0x0: {  	(pc) =	sbr.rel $0x88, $3  }
0x1: {  	(tag) =	ssettag $0x0;
	lr =	simm.s32 $0x1  }
0x2: {  	[smem:$0x3F9E] =	sst lr;
	_ =	strace $0xD0000000  }
0x3: {  	_ = 	snop  }
0x4: {  	_ = 	snop  }
0x5: {  	_ = 	snop  }
0x6: {  	_ = 	snop  }
0x7: {  	_ = 	snop  }
__scs_overlays_trampoline_lowered:
0x8: {  	[smem:$0x3FAD] =	sst s0  }
0x9: {  	[smem:$0x3FAE] =	sst s1  }
0xa: {  	[smem:$0x3FAF] =	sst s2  }
0xb: {  	[smem:$0x3FB0] =	sst s3  }
0xc: {  	[smem:$0x3FB1] =	sst s4  }
0xd: {  	[smem:$0x3FB2] =	sst s5  }
0xe: {  	[smem:$0x3FB3] =	sst s6  }
0xf: {  	[smem:$0x3FB4] =	sst s7  }
0x10: {  	[smem:$0x3FB5] =	sst s8  }
0x11: {  	[smem:$0x3FB6] =	sst s9;
	s0 =	simm.s32 @!p0 $0x0  }
0x12: {  	s1 =	sld [smem:$0x3F9C];
	s0 =	simm.s32 @p0 $0x1  }
0x13: {  	[smem:$0x3FB7] =	sst s0;
	s0 =	simm.s32 @!p1 $0x0  }
0x14: {  	s2 =	sld [smem:$0x3F9B];
	s0 =	simm.s32 @p1 $0x1  }
0x15: {  	[smem:$0x3FB8] =	sst s0;
	s0 =	simm.s32 @!p2 $0x0  }
0x16: {  	s3 =	sld [smem:$0x3FDB];
	s0 =	simm.s32 @p2 $0x1  }
0x17: {  	s4 =	simm.s32 $0x1BF5;
	[smem:$0x3FBA] =	sst s0  }
0x18: {  	s0 =	sld [smem:$0x3F9D];
	_ =	swait.ge [sflag:s4], $0x0  }
0x19: {  	s7 =	sld [smem:$0x3F9E]  }
0x1a: {  	s8 =	sadd.s32 $0xFFFFE003, lr  }
0x1b: {  	s9 =	sadd.s32 $0xFFFFFEF7, lr;
	s5 =	simm.s32 $0xFFFFFFFF;
	p2 =	slt.u32 s8, $0xFFFFF086  }
0x1c: {  	p1 =	slt.u32 s9, $0xF7A;
	s5 =	simm.s32 @!p2 $0x0  }
0x1d: {  	s5 =	simm.s32 @p1 $0x1;
	p0 =	seq.s32 s7, s2  }
0x1e: {  	s7 =	smul.u32 @!p0 $0xF7A, s2;
	p2 =	seq.s32 @!p0 s5, $0x0  }
0x1f: {  	s9 =	smul.u32 $0xF7A, s1;
	s8 =	simm.s32 @!p0 $0x1BF5;
	p2 =	por !p2, p0  }
0x20: {  	[sflag:s8] =	ssyncset.s32 @!p0 $0xFFFFF086;
	s6 =	sadd.s32 @!p0 s3, s7;
	s7 =	simm.s32 @!p0 $0x108  }
0x21: {  	s3 =	sadd.s32 s3, s9;
	s6 =	sadd.s32 @!p0 $0x88, s6;
	s7 =	simm.s32 @p2 $0x1082  }
0x22: {  	[simem:s7], [sflag:s8] =	dma.local @!p0 [hbm:s6], $0xF7A  }
0x23: {  	s9 =	sor.u32 $0xD0000000, s2;
	s6 =	simm.s32 $0x108;
	_ =	swait.ge @!p0 [sflag:s8], $0x0  }
0x24: {  	s3 =	sadd.s32 $0x88, s3;
	s6 =	simm.s32 @!p1 $0x1082;
	[sflag:s4] =	ssyncset.s32 $0xFFFFF086  }
0x25: {  	[simem:s6], [sflag:s4] =	dma.local [hbm:s3], $0xF7A  }
0x26: {  	[smem:$0x3F9E] =	sst s1;
	(tag) =	ssettag s2;
	_ =	strace s9  }
0x27: {  	s1 =	sld [smem:$0x3FAE]  }
0x28: {  	s2 =	sld [smem:$0x3FAF]  }
0x29: {  	s4 =	sld [smem:$0x3FB1]  }
0x2a: {  	p0 =	seq.s32 s5, $0x0;
	s5 =	sld [smem:$0x3FB2]  }
0x2b: {  	s6 =	sld [smem:$0x3FB3]  }
0x2c: {  	s7 =	sld [smem:$0x3FB4]  }
0x2d: {  	s3 =	simm.s32 $0x108;
	s8 =	sld [smem:$0x3FB5]  }
0x2e: {  	s3 =	simm.s32 @!p0 $0x1082;
	s9 =	sld [smem:$0x3FB6]  }
0x2f: {  	lr =	sadd.s32 s0, s3;
	s0 =	sld [smem:$0x3FAD]  }
0x30: {  	s3 =	sld [smem:$0x3FB0]  }
0x31: {  	[smem:$0x3FB9] =	sst s10  }
0x32: {  	s10 =	sld [smem:$0x3FB7];
	_ =	sdelay $0x3  }
0x33: {  	p0 =	seq.s32 s10, $0x1;
	s10 =	sld [smem:$0x3FB9];
	_ =	sdelay $0x3  }
0x34: {  	[smem:$0x3FB9] =	sst s10  }
0x35: {  	s10 =	sld [smem:$0x3FB8];
	_ =	sdelay $0x3  }
0x36: {  	p1 =	seq.s32 s10, $0x1;
	s10 =	sld [smem:$0x3FB9];
	_ =	sdelay $0x3  }
0x37: {  	[smem:$0x3FB9] =	sst s10  }
0x38: {  	s10 =	sld [smem:$0x3FBA]  }
0x39: {  	_ = 	snop;
	(pc) =	sbr.ind lr, $3  }
0x3a: {  	_ = 	snop  }
0x3b: {  	_ = 	snop  }
0x3c: {  	p2 =	seq.s32 s10, $0x1;
	s10 =	sld [smem:$0x3FB9]  }
0x3d: {  	_ =	shalt  }
0x3e: {  	_ =	shalt  }
0x3f: {  	_ =	shalt  }
0x40: {  	_ =	shalt  }
0x41: {  	_ =	shalt  }
0x42: {  	_ =	shalt  }
0x43: {  	_ =	shalt  }
0x44: {  	_ =	shalt  }
0x45: {  	_ =	shalt  }
0x46: {  	_ =	shalt  }
0x47: {  	_ =	shalt  }
0x48: {  	_ =	shalt  }
0x49: {  	_ =	shalt  }
0x4a: {  	_ =	shalt  }
0x4b: {  	_ =	shalt  }
0x4c: {  	_ =	shalt  }
0x4d: {  	_ =	shalt  }
0x4e: {  	_ =	shalt  }
0x4f: {  	_ =	shalt  }
0x50: {  	_ =	shalt  }
0x51: {  	_ =	shalt  }
0x52: {  	_ =	shalt  }
0x53: {  	_ =	shalt  }
0x54: {  	_ =	shalt  }
0x55: {  	_ =	shalt  }
0x56: {  	_ =	shalt  }
0x57: {  	_ =	shalt  }
0x58: {  	_ =	shalt  }
0x59: {  	_ =	shalt  }
0x5a: {  	_ =	shalt  }
0x5b: {  	_ =	shalt  }
0x5c: {  	_ =	shalt  }
0x5d: {  	_ =	shalt  }
0x5e: {  	_ =	shalt  }
0x5f: {  	_ =	shalt  }
0x60: {  	_ =	shalt  }
0x61: {  	_ =	shalt  }
0x62: {  	_ =	shalt  }
0x63: {  	_ =	shalt  }
0x64: {  	_ =	shalt  }
0x65: {  	_ =	shalt  }
0x66: {  	_ =	shalt  }
0x67: {  	_ =	shalt  }
0x68: {  	_ =	shalt  }
0x69: {  	_ =	shalt  }
0x6a: {  	_ =	shalt  }
0x6b: {  	_ =	shalt  }
0x6c: {  	_ =	shalt  }
0x6d: {  	_ =	shalt  }
0x6e: {  	_ =	shalt  }
0x6f: {  	_ =	shalt  }
0x70: {  	_ =	shalt  }
0x71: {  	_ =	shalt  }
0x72: {  	_ =	shalt  }
0x73: {  	_ =	shalt  }
0x74: {  	_ =	shalt  }
0x75: {  	_ =	shalt  }
0x76: {  	_ =	shalt  }
0x77: {  	_ =	shalt  }
0x78: {  	_ =	shalt  }
0x79: {  	_ =	shalt  }
0x7a: {  	_ =	shalt  }
0x7b: {  	_ =	shalt  }
0x7c: {  	_ =	shalt  }
0x7d: {  	_ =	shalt  }
0x7e: {  	_ =	shalt  }
0x7f: {  	_ =	shalt  }
0x80: {  	_ =	shalt  }
0x81: {  	_ =	shalt  }
0x82: {  	_ =	shalt  }
0x83: {  	_ =	shalt  }
0x84: {  	_ =	shalt  }
0x85: {  	_ =	shalt  }
0x86: {  	_ =	shalt  }
0x87: {  	_ =	shalt  }
.Lfunc_end0:
.L_simem_size_0:
called_computation.1_lowered:
.L_overlay_start_0:
0x88: {  	s2 =	sld [smem:$0x3FD9]  }
0x89: {  	s3 =	sld [smem:$0x3FFE];
	_ =	sdelay $0x1  }
0x8a: {  	s1 =	srdreg.scid  }
0x8b: {  	s0 =	sand.u32 $0x1, s1  }
0x8c: {  	s17 =	sshll.u32 s0, $0xA;
	s2 =	sadd.s32 s3, s2  }
0x8d: {  	s2 =	sadd.s32 s2, s17  }
0x8e: {  	[smem:$0x3FC5] =	sst s2  }
0x8f: {  	_ = 	snop  }
0x90: {  	s2 =	sld [smem:$0x3FD0];
	(tm) =	ssettm $0x1  }
0x91: {  	s18 =	sld [smem:$0x3FFB];
	_ =	sdelay $0x3  }
0x92: {  	_ =	strace s18  }
0x93: {  	s3 =	sld [smem:$0x3FFC];
	_ =	sdelay $0x3  }
0x94: {  	_ =	strace s3  }
0x95: {  	s3 =	sld [smem:$0x3FFD];
	_ =	sdelay $0x3  }
0x96: {  	_ =	strace s3  }
0x97: {  	_ =	strace $0x8FFFFFFF  }
0x98: {  	s19 =	sld [smem:$0x3FDB];
	_ =	sdelay $0x1  }
0x99: {  	s4 =	simm.s32 $_scs_section_size  }
0x9a: {  	s5 =	simm.s32 $_size__tile_overlayer_lowered;
	s6 =	simm.s32 $_tile_overlayer_lowered  }
0x9b: {  	s22 =	simm.s32 $0x1BFF;
	s21 =	sshll.u32 s6, $0x1;
	s3 =	sadd.s32 s4, s19  }
0x9c: {  	s7 =	simm.s32 $0x0;
	s20 =	sshll.u32 s5, $0x1;
	s5 =	sadd.s32 s21, s3  }
0x9d: {  	[timem:s7], [sflag:s22] =	dma.local [hbm:s5], s20  }
0x9e: {  	_ =	swait.ge [sflag:s22], s20  }
0x9f: {  	s4 =	ssub.s32 $0x0, s20;
	[sflag:s22] =	ssyncset.done $0x0  }
0xa0: {  	[sflag:s22] =	ssyncadd.s32 s4;
	_ =	sdelay $0x1  }
0xa1: {  	s23 =	simm.s32 $0x1B8B  }
0xa2: {  	_ =	swait.ge [sflag:s23], $0x1  }
0xa3: {  	[sflag:s23] =	ssyncset.done $0x0  }
0xa4: {  	s25 =	simm.s32 $0x1B8E;
	s24 =	sld [smem:$0x3FFE];
	[sflag:s23] =	ssyncadd.s32 $0xFFFFFFFF  }
0xa5: {  	s26 =	simm.s32 $execute0_lowered;
	[smem:$0x3FD2] =	sst s25  }
0xa6: {  	s5 =	sshll.u32 s26, $0x1;
	_ =	strace $0x80000046;
	[dreg:$0x1] =	wrdreg $0xFFFFFFFF  }
0xa7: {  	s28 =	simm.s32 $_size_execute0_lowered;
	s3 =	sadd.s32 s3, s5;
	[dreg:$0x0] =	wrdreg $0x0  }
0xa8: {  	s5 =	sshll.u32 s28, $0x1;
	[dreg:$0x2] =	wrdreg s3  }
0xa9: {  	[dreg:$0x3] =	wrdreg s5  }
0xaa: {  	[dreg:$0x4] =	wrdreg $0xC0  }
0xab: {  	_ =	task [dreg:s7], $0x5FFFF  }
0xac: {  	[dreg:$0x1] =	wrdreg $0xFFFFFFFF  }
0xad: {  	[dreg:$0x0] =	wrdreg $0x60  }
0xae: {  	[dreg:$0x2] =	wrdreg s2  }
0xaf: {  	[dreg:$0x3] =	wrdreg s24  }
0xb0: {  	[dreg:$0x4] =	wrdreg $0x9  }
0xb1: {  	_ =	task.clear_ibuf [dreg:s7], $0x5FFFF;
	_ =	strace $0x90000046  }
0xb2: {  	s29 =	simm.s32 $0x9;
	_ =	strace $0x80000048  }
0xb3: {  	_ =	swait.ge [sflag:s29], $0x1  }
0xb4: {  	[sflag:s29] =	ssyncadd.s32 $0xFFFFFFFF  }
0xb5: {  	_ =	strace $0x90000048  }
0xb6: {  	_ =	sfence  }
0xb7: {  	s30 =	sld [smem:$0x0];
	_ =	sdelay $0x2  }
0xb8: {  	s31 =	sshll.u32 s1, $0xD;
	s1 =	sshrl.u32 s1, $0x2  }
0xb9: {  	s3 =	sand.u32 $0x4000, s31;
	s1 =	sadd.s32 s1, s30  }
0xba: {  	s0 =	sor.u32 s3, s0;
	s1 =	sshll.u32 s1, $0x11  }
0xbb: {  	s0 =	sor.u32 s1, s0  }
0xbc: {  	s0 =	sadd.s32 $0x8F2B, s0  }
0xbd: {  	[sflag:s0] =	ssyncadd.remote.s32 $0x1  }
0xbe: {  	_ =	sfence.sel $0xFFFF  }
0xbf: {  	[dreg:$0x0] =	wrdreg $0xFFFFFFFF;
	(pc) =	sbr.abs _section_cstart, $3  }
0xc0: {  	[dreg:$0x1] =	wrdreg $0xFFFFFFFF  }
0xc1: {  	_ =	task.clear_ibuf [dreg:s7], $0x2FFFF;
	_ =	strace $0x9FFFFFFF  }
0xc2: {  	(tm) =	ssettm $0x7FFFFFFF  }
0xc3: {  	_ =	shalt  }
tec
execute0_lowered:
.L_overlay_start_1:
0x0: {  	(tag) =	ssettag $0x1  }
0x1: {  	s0 =	rddreg [dreg:$0x0]  }
0x2: {  	s1 =	rddreg [dreg:$0x1]  }
0x3: {  	s2 =	simm.s32 $0x0;
	s3 =	srdreg.scid;
	s5 =	stileid.u32  }
0x4: {  	s23 =	simm.s32 $0x5;
	s28 =	simm.s32 $0x9010;
	s29 =	simm.s32 $0x1  }
0x5: {  	s30 =	simm.s32 $0x3;
	s31 =	simm.s32 $0x0;
	[smem:$0x7FF] =	sst s2  }
0x6: {  	s4 =	sand.u32 $0x1, s3;
	s3 =	sadd.s32 $0xC35E00, s1;
	s25 =	sadd.s32 $0xC35C00, s1  }
0x7: {  	s5 =	sshll.u32 s5, $0xD;
	_ =	strace $0x80000047;
	s6 =	sshll.u32 s4, $0xC  }
0x8: {  	s4 =	ssub.s32 $0x2, s4;
	[dreg:$0x3] =	wrdreg s25;
	s5 =	sor.u32 s6, s5  }
0x9: {  	s25 =	simm.s32 $0x100;
	s7 =	sshrl.u32 s4, $0x1;
	s26 =	sshll.u32 s5, $0x4  }
0xa: {  	s4 =	ssub.s32 s4, s7;
	s5 =	sshrl.u32 s5, $0x3;
	s1 =	sadd.s32 s26, s1  }
0xb: {  	s5 =	sadd.s32 s0, s5;
	s7 =	smax.u32 s4, $0x1;
	s26 =	simm.s32 $0x1010  }
0xc: {  	s0 =	simm.s32 $0x2;
	s6 =	sadd.s32 $0xC00, s1;
	s8 =	sadd.s32 $0x1C00, s1  }
0xd: {  	s9 =	sadd.s32 $0x2C00, s1;
	s10 =	sadd.s32 $0x3C00, s1;
	s11 =	sadd.s32 $0x4C00, s1  }
0xe: {  	s12 =	sadd.s32 $0x5C00, s1;
	s13 =	sadd.s32 $0x6C00, s1;
	s14 =	sadd.s32 $0x7C00, s1  }
0xf: {  	s15 =	sadd.s32 $0x8C00, s1;
	s16 =	sadd.s32 $0x9C00, s1;
	s17 =	sadd.s32 $0xAC00, s1  }
0x10: {  	s18 =	sadd.s32 $0xBC00, s1;
	s19 =	sadd.s32 $0xCC00, s1;
	s20 =	sadd.s32 $0xDC00, s1  }
0x11: {  	s21 =	sadd.s32 $0xEC00, s1;
	s22 =	sadd.s32 $0xFC00, s1;
	s1 =	simm.s32 $0x4  }
.LBB2_1:
0x12: {  	[tilespmem:s2], [sflag:$0x5] =	stream.linear.gather [hbm4b:s5+s2], $0x1000, $0x38;
	[tilespmem:$0x11010] =	vst v63  }
0x13: {  	_ =	swait.ge [sflag:s23], $0x1000  }
0x14: {  	[sflag:s23] =	ssyncset.done $0x0  }
0x15: {  	s24 =	simm.s32 $0x1000;
	s4 =	rddreg [dreg:$0x3];
	[sflag:s23] =	ssyncadd.s32 $0xFFFFF000  }
0x16: {  	[tilespmem:s24], [sflag:$0x5] =	stream.linear.gather [hbm4b:s4+s2], $0x10, $0x38;
	[tilespmem:$0x11010] =	vst v63  }
0x17: {  	_ =	swait.ge [sflag:s23], $0x10  }
0x18: {  	[sflag:s23] =	ssyncset.done $0x0  }
0x19: {  	[sflag:s23] =	ssyncadd.s32 $0xFFFFFFF0  }
0x1a: {  	s24 =	simm.s32 $0x0;
	s4 =	simm.s32 $0x40;
	v0 =	vld [tilespmem:$0x1000]  }
.LBB2_2:
0x1b: {  	p0 =	sne.s32 s4, $0x3FC0;
	v1 =	vld [tilespmem:s24+$0x0];
	_ =	sdelay $0x1  }
.Ltmp0:
0x1c: {  	(pc) =	sbr.rel @p0 .LBB2_2-.Ltmp0, $3  }
0x1d: {  	_ =	sdelay $0x1  }
0x1e: {  	v1 =	vadd.s32 v0, v1  }
0x1f: {  	[tilespmem:s24+$0x0] =	vst v1;
	s24 =	sshra.s32 s4, $0x2;
	s4 =	sadd.s32 $0x40, s4  }
0x20: {  	v1 =	vld [tilespmem:s24+$0x0];
	_ =	sdelay $0x4  }
0x21: {  	v0 =	vadd.s32 v0, v1  }
0x22: {  	[tilespmem:s24+$0x0] =	vst v0  }
0x23: {  	[tilespmem:s26], [sflag:$0x1] =	stream.indirect.gather [hbm4b:s3+s25], $0x80, s2, s25, $0xb8;
	[tilespmem:$0x11010] =	vst v63  }
0x24: {  	_ = 	snop  }
0x25: {  	[tilespmem:s28], [sflag:$0x2] =	stream.indirect.gather [hbm4b:s3+s25], $0x80, s25, s25, $0xb8;
	[tilespmem:$0x11010] =	vst v63  }
0x26: {  	_ =	swait.ge [sflag:s29], $0x8000  }
0x27: {  	[sflag:s29] =	ssyncset.done $0x0  }
0x28: {  	[sflag:s29] =	ssyncadd.s32 $0xFFFF8000  }
0x29: {  	[hbm4b:s6+s2] =	stream.linear.scatter [tilespmem:s26], [sflag:$0x3], $0x8000, $0x38;
	[tilespmem:$0x11010] =	vst v63  }
0x2a: {  	_ =	swait.ge [sflag:s30], $0x8000  }
0x2b: {  	[sflag:s30] =	ssyncset.done $0x0  }
0x2c: {  	s4 =	simm.s32 $0x200;
	[sflag:s30] =	ssyncadd.s32 $0xFFFF8000  }
0x2d: {  	[tilespmem:s26], [sflag:$0x1] =	stream.indirect.gather [hbm4b:s3+s25], $0x80, s4, s25, $0xb8;
	[tilespmem:$0x11010] =	vst v63  }
0x2e: {  	_ =	swait.ge [sflag:s0], $0x8000  }
0x2f: {  	[sflag:s0] =	ssyncset.done $0x0  }
0x30: {  	[sflag:s0] =	ssyncadd.s32 $0xFFFF8000  }
0x31: {  	[hbm4b:s8+s2] =	stream.linear.scatter [tilespmem:s28], [sflag:$0x4], $0x8000, $0x38;
	[tilespmem:$0x11010] =	vst v63  }
0x32: {  	_ =	swait.ge [sflag:s1], $0x8000  }
0x33: {  	[sflag:s1] =	ssyncset.done $0x0  }
0x34: {  	s24 =	simm.s32 $0x300;
	[sflag:s1] =	ssyncadd.s32 $0xFFFF8000  }
0x35: {  	[tilespmem:s28], [sflag:$0x2] =	stream.indirect.gather [hbm4b:s3+s25], $0x80, s24, s25, $0xb8;
	[tilespmem:$0x11010] =	vst v63  }
0x36: {  	_ =	swait.ge [sflag:s29], $0x8000  }
0x37: {  	[sflag:s29] =	ssyncset.done $0x0  }
0x38: {  	[sflag:s29] =	ssyncadd.s32 $0xFFFF8000  }
0x39: {  	[hbm4b:s9+s2] =	stream.linear.scatter [tilespmem:s26], [sflag:$0x3], $0x8000, $0x38;
	[tilespmem:$0x11010] =	vst v63  }
0x3a: {  	_ =	swait.ge [sflag:s30], $0x8000  }
0x3b: {  	[sflag:s30] =	ssyncset.done $0x0  }
0x3c: {  	s24 =	simm.s32 $0x400;
	[sflag:s30] =	ssyncadd.s32 $0xFFFF8000  }
0x3d: {  	[tilespmem:s26], [sflag:$0x1] =	stream.indirect.gather [hbm4b:s3+s25], $0x80, s24, s25, $0xb8;
	[tilespmem:$0x11010] =	vst v63  }
0x3e: {  	_ =	swait.ge [sflag:s0], $0x8000  }
0x3f: {  	[sflag:s0] =	ssyncset.done $0x0  }
0x40: {  	[sflag:s0] =	ssyncadd.s32 $0xFFFF8000  }
0x41: {  	[hbm4b:s10+s2] =	stream.linear.scatter [tilespmem:s28], [sflag:$0x4], $0x8000, $0x38;
	[tilespmem:$0x11010] =	vst v63  }
0x42: {  	_ =	swait.ge [sflag:s1], $0x8000  }
0x43: {  	[sflag:s1] =	ssyncset.done $0x0  }
0x44: {  	s24 =	simm.s32 $0x500;
	[sflag:s1] =	ssyncadd.s32 $0xFFFF8000  }
0x45: {  	[tilespmem:s28], [sflag:$0x2] =	stream.indirect.gather [hbm4b:s3+s25], $0x80, s24, s25, $0xb8;
	[tilespmem:$0x11010] =	vst v63  }
0x46: {  	_ =	swait.ge [sflag:s29], $0x8000  }
0x47: {  	[sflag:s29] =	ssyncset.done $0x0  }
0x48: {  	[sflag:s29] =	ssyncadd.s32 $0xFFFF8000  }
0x49: {  	[hbm4b:s11+s2] =	stream.linear.scatter [tilespmem:s26], [sflag:$0x3], $0x8000, $0x38;
	[tilespmem:$0x11010] =	vst v63  }
0x4a: {  	_ =	swait.ge [sflag:s30], $0x8000  }
0x4b: {  	[sflag:s30] =	ssyncset.done $0x0  }
0x4c: {  	s24 =	simm.s32 $0x600;
	[sflag:s30] =	ssyncadd.s32 $0xFFFF8000  }
0x4d: {  	[tilespmem:s26], [sflag:$0x1] =	stream.indirect.gather [hbm4b:s3+s25], $0x80, s24, s25, $0xb8;
	[tilespmem:$0x11010] =	vst v63  }
0x4e: {  	_ =	swait.ge [sflag:s0], $0x8000  }
0x4f: {  	[sflag:s0] =	ssyncset.done $0x0  }
0x50: {  	[sflag:s0] =	ssyncadd.s32 $0xFFFF8000  }
0x51: {  	[hbm4b:s12+s2] =	stream.linear.scatter [tilespmem:s28], [sflag:$0x4], $0x8000, $0x38;
	[tilespmem:$0x11010] =	vst v63  }
0x52: {  	_ =	swait.ge [sflag:s1], $0x8000  }
0x53: {  	[sflag:s1] =	ssyncset.done $0x0  }
0x54: {  	s24 =	simm.s32 $0x700;
	[sflag:s1] =	ssyncadd.s32 $0xFFFF8000  }
0x55: {  	[tilespmem:s28], [sflag:$0x2] =	stream.indirect.gather [hbm4b:s3+s25], $0x80, s24, s25, $0xb8;
	[tilespmem:$0x11010] =	vst v63  }
0x56: {  	_ =	swait.ge [sflag:s29], $0x8000  }
0x57: {  	[sflag:s29] =	ssyncset.done $0x0  }
0x58: {  	[sflag:s29] =	ssyncadd.s32 $0xFFFF8000  }
0x59: {  	[hbm4b:s13+s2] =	stream.linear.scatter [tilespmem:s26], [sflag:$0x3], $0x8000, $0x38;
	[tilespmem:$0x11010] =	vst v63  }
0x5a: {  	_ =	swait.ge [sflag:s30], $0x8000  }
0x5b: {  	[sflag:s30] =	ssyncset.done $0x0  }
0x5c: {  	s24 =	simm.s32 $0x800;
	[sflag:s30] =	ssyncadd.s32 $0xFFFF8000  }
0x5d: {  	[tilespmem:s26], [sflag:$0x1] =	stream.indirect.gather [hbm4b:s3+s25], $0x80, s24, s25, $0xb8;
	[tilespmem:$0x11010] =	vst v63  }
0x5e: {  	_ =	swait.ge [sflag:s0], $0x8000  }
0x5f: {  	[sflag:s0] =	ssyncset.done $0x0  }
0x60: {  	[sflag:s0] =	ssyncadd.s32 $0xFFFF8000  }
0x61: {  	[hbm4b:s14+s2] =	stream.linear.scatter [tilespmem:s28], [sflag:$0x4], $0x8000, $0x38;
	[tilespmem:$0x11010] =	vst v63  }
0x62: {  	_ =	swait.ge [sflag:s1], $0x8000  }
0x63: {  	[sflag:s1] =	ssyncset.done $0x0  }
0x64: {  	s24 =	simm.s32 $0x900;
	[sflag:s1] =	ssyncadd.s32 $0xFFFF8000  }
0x65: {  	[tilespmem:s28], [sflag:$0x2] =	stream.indirect.gather [hbm4b:s3+s25], $0x80, s24, s25, $0xb8;
	[tilespmem:$0x11010] =	vst v63  }
0x66: {  	_ =	swait.ge [sflag:s29], $0x8000  }
0x67: {  	[sflag:s29] =	ssyncset.done $0x0  }
0x68: {  	[sflag:s29] =	ssyncadd.s32 $0xFFFF8000  }
0x69: {  	[hbm4b:s15+s2] =	stream.linear.scatter [tilespmem:s26], [sflag:$0x3], $0x8000, $0x38;
	[tilespmem:$0x11010] =	vst v63  }
0x6a: {  	_ =	swait.ge [sflag:s30], $0x8000  }
0x6b: {  	[sflag:s30] =	ssyncset.done $0x0  }
0x6c: {  	s24 =	simm.s32 $0xA00;
	[sflag:s30] =	ssyncadd.s32 $0xFFFF8000  }
0x6d: {  	[tilespmem:s26], [sflag:$0x1] =	stream.indirect.gather [hbm4b:s3+s25], $0x80, s24, s25, $0xb8;
	[tilespmem:$0x11010] =	vst v63  }
0x6e: {  	_ =	swait.ge [sflag:s0], $0x8000  }
0x6f: {  	[sflag:s0] =	ssyncset.done $0x0  }
0x70: {  	[sflag:s0] =	ssyncadd.s32 $0xFFFF8000  }
0x71: {  	[hbm4b:s16+s2] =	stream.linear.scatter [tilespmem:s28], [sflag:$0x4], $0x8000, $0x38;
	[tilespmem:$0x11010] =	vst v63  }
0x72: {  	_ =	swait.ge [sflag:s1], $0x8000  }
0x73: {  	[sflag:s1] =	ssyncset.done $0x0  }
0x74: {  	s24 =	simm.s32 $0xB00;
	[sflag:s1] =	ssyncadd.s32 $0xFFFF8000  }
0x75: {  	[tilespmem:s28], [sflag:$0x2] =	stream.indirect.gather [hbm4b:s3+s25], $0x80, s24, s25, $0xb8;
	[tilespmem:$0x11010] =	vst v63  }
0x76: {  	_ =	swait.ge [sflag:s29], $0x8000  }
0x77: {  	[sflag:s29] =	ssyncset.done $0x0  }
0x78: {  	[sflag:s29] =	ssyncadd.s32 $0xFFFF8000  }
0x79: {  	[hbm4b:s17+s2] =	stream.linear.scatter [tilespmem:s26], [sflag:$0x3], $0x8000, $0x38;
	[tilespmem:$0x11010] =	vst v63  }
0x7a: {  	_ =	swait.ge [sflag:s30], $0x8000  }
0x7b: {  	[sflag:s30] =	ssyncset.done $0x0  }
0x7c: {  	s24 =	simm.s32 $0xC00;
	[sflag:s30] =	ssyncadd.s32 $0xFFFF8000  }
0x7d: {  	[tilespmem:s26], [sflag:$0x1] =	stream.indirect.gather [hbm4b:s3+s25], $0x80, s24, s25, $0xb8;
	[tilespmem:$0x11010] =	vst v63  }
0x7e: {  	_ =	swait.ge [sflag:s0], $0x8000  }
0x7f: {  	[sflag:s0] =	ssyncset.done $0x0  }
0x80: {  	[sflag:s0] =	ssyncadd.s32 $0xFFFF8000  }
0x81: {  	[hbm4b:s18+s2] =	stream.linear.scatter [tilespmem:s28], [sflag:$0x4], $0x8000, $0x38;
	[tilespmem:$0x11010] =	vst v63  }
0x82: {  	_ =	swait.ge [sflag:s1], $0x8000  }
0x83: {  	[sflag:s1] =	ssyncset.done $0x0  }
0x84: {  	s24 =	simm.s32 $0xD00;
	[sflag:s1] =	ssyncadd.s32 $0xFFFF8000  }
0x85: {  	[tilespmem:s28], [sflag:$0x2] =	stream.indirect.gather [hbm4b:s3+s25], $0x80, s24, s25, $0xb8;
	[tilespmem:$0x11010] =	vst v63  }
0x86: {  	_ =	swait.ge [sflag:s29], $0x8000  }
0x87: {  	[sflag:s29] =	ssyncset.done $0x0  }
0x88: {  	[sflag:s29] =	ssyncadd.s32 $0xFFFF8000  }
0x89: {  	[hbm4b:s19+s2] =	stream.linear.scatter [tilespmem:s26], [sflag:$0x3], $0x8000, $0x38;
	[tilespmem:$0x11010] =	vst v63  }
0x8a: {  	_ =	swait.ge [sflag:s30], $0x8000  }
0x8b: {  	[sflag:s30] =	ssyncset.done $0x0  }
0x8c: {  	s24 =	simm.s32 $0xE00;
	[sflag:s30] =	ssyncadd.s32 $0xFFFF8000  }
0x8d: {  	[tilespmem:s26], [sflag:$0x1] =	stream.indirect.gather [hbm4b:s3+s25], $0x80, s24, s25, $0xb8;
	[tilespmem:$0x11010] =	vst v63  }
0x8e: {  	_ =	swait.ge [sflag:s0], $0x8000  }
0x8f: {  	[sflag:s0] =	ssyncset.done $0x0  }
0x90: {  	[sflag:s0] =	ssyncadd.s32 $0xFFFF8000  }
0x91: {  	[hbm4b:s20+s2] =	stream.linear.scatter [tilespmem:s28], [sflag:$0x4], $0x8000, $0x38;
	[tilespmem:$0x11010] =	vst v63  }
0x92: {  	_ =	swait.ge [sflag:s1], $0x8000  }
0x93: {  	[sflag:s1] =	ssyncset.done $0x0  }
0x94: {  	s24 =	simm.s32 $0xF00;
	[sflag:s1] =	ssyncadd.s32 $0xFFFF8000  }
0x95: {  	[tilespmem:s28], [sflag:$0x2] =	stream.indirect.gather [hbm4b:s3+s25], $0x80, s24, s25, $0xb8;
	[tilespmem:$0x11010] =	vst v63  }
0x96: {  	_ =	swait.ge [sflag:s29], $0x8000  }
0x97: {  	[sflag:s29] =	ssyncset.done $0x0  }
0x98: {  	[sflag:s29] =	ssyncadd.s32 $0xFFFF8000  }
0x99: {  	[hbm4b:s21+s2] =	stream.linear.scatter [tilespmem:s26], [sflag:$0x3], $0x8000, $0x38;
	[tilespmem:$0x11010] =	vst v63  }
0x9a: {  	_ =	swait.ge [sflag:s0], $0x8000  }
0x9b: {  	[sflag:s0] =	ssyncset.done $0x0  }
0x9c: {  	s31 =	sadd.s32 $0x1, s31;
	[sflag:s0] =	ssyncadd.s32 $0xFFFF8000  }
0x9d: {  	[hbm4b:s22+s2] =	stream.linear.scatter [tilespmem:s28], [sflag:$0x4], $0x8000, $0x38;
	[tilespmem:$0x11010] =	vst v63  }
0x9e: {  	p0 =	sne.s32 s31, s7;
	_ =	swait.ge [sflag:s30], $0x8000  }
.Ltmp1:
0x9f: {  	[sflag:s30] =	ssyncset.done $0x0;
	(pc) =	sbr.rel @p0 .LBB2_1-.Ltmp1, $4  }
0xa0: {  	[sflag:s30] =	ssyncadd.s32 $0xFFFF8000  }
0xa1: {  	_ =	swait.ge [sflag:s1], $0x8000  }
0xa2: {  	[sflag:s1] =	ssyncset.done $0x0  }
0xa3: {  	[sflag:s1] =	ssyncadd.s32 $0xFFFF8000  }
0xa4: {  	_ =	sfence.sel $0x180000  }
0xa5: {  	[bflag:$0x0] =	sbarrier.arrive $0xFFFF  }
0xa6: {  	_ =	strace $0x90000047  }
0xa7: {  	s0 =	stileid.u32;
	[bflag:$0x2] =	sbarrier.arrive $0xFFFF  }
0xa8: {  	p0 =	sne.s32 s0, $0x0;
	s0 =	rddreg [dreg:$0x2]  }
0xa9: {  	s0 =	sadd.s32 @!p0 $0x100000, s0  }
0xaa: {  	[sflag:s0] =	ssyncadd.tile.s32 @!p0 $0x1;
	_ =	shalt  }
.Lfunc_end2:
_tile_overlayer_lowered:
.L_overlay_start_2:
0xab: {  	(tag) =	ssettag $0x2  }
0xac: {  	s0 =	rddreg [dreg:$0x0];
	s2 =	stileid.u32  }
0xad: {  	s1 =	rddreg [dreg:$0x1];
	p0 =	sne.s32 s2, $0x0  }
0xae: {  	s3 =	rddreg [dreg:$0x2];
	[bflag:$0x3] =	sbarrier.arrive $0xFFFF;
	s2 =	simm.s32 @!p0 $0x1C05  }
0xaf: {  	[timem:s3], [sflag:s2] =	dma.local @!p0 [hbm:s0], s1  }
0xb0: {  	s0 =	simm.s32 @!p0 $0x5  }
0xb1: {  	_ =	swait.ge @!p0 [sflag:s0], s1  }
0xb2: {  	s1 =	ssub.s32 @!p0 $0x0, s1;
	[sflag:s0] =	ssyncset.done @!p0 $0x0  }
0xb3: {  	[sflag:s0] =	ssyncadd.s32 @!p0 s1  }
0xb4: {  	[bflag:$0x3] =	sbarrier.arrive $0xFFFF  }
0xb5: {  	_ =	shalt  }

// kernel: sparse-core-data-format-call.cloned.1.call-start
scs
called_computation_lowered:
.L_overlay_start_0:
0x0: {  	s2 =	sld [smem:$0x3FD9]  }
0x1: {  	s3 =	sld [smem:$0x3FFE];
	_ =	sdelay $0x1  }
0x2: {  	s1 =	srdreg.scid  }
0x3: {  	s0 =	sand.u32 $0x1, s1  }
0x4: {  	s18 =	sshll.u32 s0, $0xA;
	s2 =	sadd.s32 s3, s2  }
0x5: {  	s2 =	sadd.s32 s2, s18  }
0x6: {  	[smem:$0x3FC5] =	sst s2  }
0x7: {  	_ = 	snop  }
0x8: {  	s2 =	sld [smem:$0x3FD0];
	(tm) =	ssettm $0x1  }
0x9: {  	s19 =	sld [smem:$0x3FFB];
	_ =	sdelay $0x3  }
0xa: {  	_ =	strace s19  }
0xb: {  	s3 =	sld [smem:$0x3FFC];
	_ =	sdelay $0x3  }
0xc: {  	_ =	strace s3  }
0xd: {  	s3 =	sld [smem:$0x3FFD];
	_ =	sdelay $0x3  }
0xe: {  	_ =	strace s3  }
0xf: {  	_ =	strace $0x8FFFFFFF  }
0x10: {  	s20 =	sld [smem:$0x3FDB];
	_ =	sdelay $0x1  }
0x11: {  	s4 =	simm.s32 $_scs_section_size  }
0x12: {  	s5 =	simm.s32 $_size__tile_overlayer_lowered;
	s6 =	simm.s32 $_tile_overlayer_lowered  }
0x13: {  	s23 =	simm.s32 $0x1BFF;
	s22 =	sshll.u32 s6, $0x1;
	s3 =	sadd.s32 s4, s20  }
0x14: {  	s7 =	simm.s32 $0x0;
	s21 =	sshll.u32 s5, $0x1;
	s5 =	sadd.s32 s22, s3  }
0x15: {  	[timem:s7], [sflag:s23] =	dma.local [hbm:s5], s21  }
0x16: {  	_ =	swait.ge [sflag:s23], s21  }
0x17: {  	s4 =	ssub.s32 $0x0, s21;
	[sflag:s23] =	ssyncset.done $0x0  }
0x18: {  	[sflag:s23] =	ssyncadd.s32 s4;
	_ =	sdelay $0x1  }
0x19: {  	s24 =	simm.s32 $0x1B8B  }
0x1a: {  	_ =	swait.ge [sflag:s24], $0x1  }
0x1b: {  	[sflag:s24] =	ssyncset.done $0x0  }
0x1c: {  	s26 =	simm.s32 $0x1B8E;
	s25 =	sld [smem:$0x3FFE];
	[sflag:s24] =	ssyncadd.s32 $0xFFFFFFFF  }
0x1d: {  	s27 =	simm.s32 $execute0_lowered;
	[smem:$0x3FD2] =	sst s26  }
0x1e: {  	s5 =	sshll.u32 s27, $0x1;
	_ =	strace $0x80000049;
	[dreg:$0x1] =	wrdreg $0xFFFFFFFF  }
0x1f: {  	s28 =	simm.s32 $_size_execute0_lowered;
	s3 =	sadd.s32 s3, s5;
	[dreg:$0x0] =	wrdreg $0x0  }
0x20: {  	s5 =	sshll.u32 s28, $0x1;
	[dreg:$0x2] =	wrdreg s3  }
0x21: {  	[dreg:$0x3] =	wrdreg s5  }
0x22: {  	[dreg:$0x4] =	wrdreg $0xC0  }
0x23: {  	_ =	task [dreg:s7], $0x5FFFF  }
0x24: {  	[dreg:$0x1] =	wrdreg $0xFFFFFFFF  }
0x25: {  	[dreg:$0x0] =	wrdreg $0x60  }
0x26: {  	[dreg:$0x2] =	wrdreg s25  }
0x27: {  	[dreg:$0x3] =	wrdreg s2  }
0x28: {  	[dreg:$0x4] =	wrdreg $0x9  }
0x29: {  	_ =	task.clear_ibuf [dreg:s7], $0x5FFFF;
	_ =	strace $0x90000049  }
0x2a: {  	s29 =	simm.s32 $0x9;
	_ =	strace $0x8000004B  }
0x2b: {  	_ =	swait.ge [sflag:s29], $0x1  }
0x2c: {  	[sflag:s29] =	ssyncadd.s32 $0xFFFFFFFF  }
0x2d: {  	_ =	strace $0x9000004B  }
0x2e: {  	_ =	sfence  }
0x2f: {  	s30 =	sld [smem:$0x0];
	_ =	sdelay $0x2  }
0x30: {  	s31 =	sshll.u32 s1, $0xD;
	s1 =	sshrl.u32 s1, $0x2  }
0x31: {  	s3 =	sand.u32 $0x4000, s31;
	s1 =	sadd.s32 s1, s30  }
0x32: {  	s0 =	sor.u32 s3, s0;
	s1 =	sshll.u32 s1, $0x11  }
0x33: {  	s0 =	sor.u32 s1, s0  }
0x34: {  	s0 =	sadd.s32 $0x8F2B, s0  }
0x35: {  	[sflag:s0] =	ssyncadd.remote.s32 $0x1  }
0x36: {  	_ =	sfence.sel $0xFFFF  }
0x37: {  	[dreg:$0x0] =	wrdreg $0xFFFFFFFF;
	(pc) =	sbr.abs _section_cstart, $3  }
0x38: {  	[dreg:$0x1] =	wrdreg $0xFFFFFFFF  }
0x39: {  	_ =	task.clear_ibuf [dreg:s7], $0x2FFFF;
	_ =	strace $0x9FFFFFFF  }
0x3a: {  	(tm) =	ssettm $0x7FFFFFFF  }
0x3b: {  	_ =	shalt  }
tec
execute0_lowered:
.L_overlay_start_1:
0x0: {  	(tag) =	ssettag $0x1  }
0x1: {  	s0 =	stileid.u32;
	s4 =	rddreg [dreg:$0x0]  }
0x2: {  	s1 =	srdreg.scid;
	s3 =	rddreg [dreg:$0x1];
	s7 =	simm.s32 $0x1  }
0x3: {  	s31 =	simm.s32 $0x2;
	s2 =	sshll.u32 s0, $0x5;
	s1 =	sshll.u32 s1, $0x9  }
0x4: {  	s14 =	simm.s32 $0x0;
	s9 =	simm.s32 $0x8000;
	s1 =	sor.u32 s2, s1  }
0x5: {  	s15 =	simm.s32 $0x0;
	s16 =	simm.s32 $0x0;
	s2 =	sand.u32 $0x380, s1  }
0x6: {  	s10 =	simm.s32 $0x0;
	s13 =	simm.s32 $0x0;
	s5 =	ssub.s32 $0x1000, s2  }
0x7: {  	s4 =	sadd.s32 $0xC00, s4;
	s1 =	rddreg [dreg:$0x2];
	s6 =	sand.u32 $0x380, s5  }
.Ltmp0:
0x8: {  	_ =	strace $0x8000004A;
	p0 =	sne.s32 s6, $0x0;
	(pc) =	sbr.rel .LBB1_1-.Ltmp0, $4  }
0x9: {  	s11 =	smov.u32 s2;
	s8 =	sshrl.u32 s5, $0xA;
	s7 =	simm.s32 @!p0 $0x0  }
0xa: {  	s5 =	sand.u32 $0x3, s0;
	s6 =	simm.s32 $0x1;
	s7 =	sadd.s32 s7, s8  }
0xb: {  	s12 =	smov.u32 s5;
	[sflag:s6] =	ssyncpa.u1 $0x0;
	s7 =	sshll.u32 s7, $0x3  }
0xc: {  	p0 =	por $0x0, $0x0;
	[sflag:s31] =	ssyncpa.u1 $0x0;
	s8 =	sor.u32 $0x1, s7  }
.LBB1_4:
0xd: {  	s19 =	sshll.u32 s15, $0x3  }
0xe: {  	s20 =	sand.u32 $0x78, s15;
	s16 =	sshll.u32 s16, $0x12;
	s30 =	sand.u32 $0x7E00, s15  }
0xf: {  	s14 =	sshll.u32 s14, $0xF;
	s19 =	sand.u32 $0xC00, s19;
	s16 =	sadd.s32 s3, s16  }
0x10: {  	[tilespmem:s18+$0x810 ss:$0x81] =	vst.msk $0xffff, v2;
	s31 =	sand.u32 $0x7, s15;
	s19 =	sor.u32 s20, s19;
	s16 =	sadd.s32 s30, s16  }
0x11: {  	[tilespmem:s18+$0x1020 ss:$0x81] =	vst.msk $0xffff, v0;
	s15 =	sshll.u32 s31, $0x12;
	s19 =	sshrl.u32 s19, $0x3;
	s14 =	sadd.s32 s14, s16  }
0x12: {  	[tilespmem:s18+$0x0 ss:$0x81] =	vst.msk $0xffff, v1;
	s15 =	sor.u32 $0x400, s15;
	s14 =	sadd.s32 s19, s14  }
0x13: {  	[hbm4b:s14+s15] =	stream.strided.scatter [tilespmem:s17], [sflag:$0x2], $0x2000, s9, s15, $0x20;
	[tilespmem:$0x8080] =	vst v63  }
.LBB1_5:
0x14: {  	s17 =	sadd.s32 $0x1, s10  }
0x15: {  	s14 =	sadd.s32 $0x400, s11;
	s18 =	smov.u32 s11;
	p2 =	sgt.s32 s17, $0x7  }
0x16: {  	s18 =	smov.u32 @p2 s14  }
0x17: {  	s20 =	smov.u32 s12;
	s14 =	sadd.s32 $0x4, s12;
	p3 =	sgt.s32 s18, $0xFFF  }
0x18: {  	s20 =	smov.u32 @p3 s14  }
0x19: {  	s17 =	simm.s32 @p2 $0x0;
	p2 =	sgt.s32 s20, $0x3  }
0x1a: {  	p1 =	slt.u32 s13, $0x2;
	s20 =	smov.u32 @p2 s5;
	p2 =	sne.s32 s13, s8  }
.Ltmp1:
0x1b: {  	s19 =	simm.s32 @!p1 $0x2;
	(pc) =	sbr.rel @!p2 .LBB1_6-.Ltmp1, $4  }
0x1c: {  	s15 =	smov.u32 s11;
	s16 =	smov.u32 s12;
	_ =	swait.ge @!p1 [sflag:s19], $0x2000  }
0x1d: {  	p0 =	por !p0, !p0;
	[sflag:s19] =	ssyncset.done @!p1 $0x0;
	s18 =	smov.u32 @p3 s2  }
0x1e: {  	s14 =	smov.u32 s10;
	[sflag:s19] =	ssyncadd.s32 @!p1 $0xFFFFE000;
	s10 =	smov.u32 s17  }
0x1f: {  	s11 =	smov.u32 s18;
	s13 =	sadd.s32 $0x1, s13;
	s12 =	smov.u32 s20  }
.LBB1_1:
0x20: {  	p1 =	sge.u32 s13, s7;
	s31 =	sadd.s32 $0xFFFFFFFF, s13  }
0x21: {  	s17 =	sxor.u32 @!p1 $0xFFFFFFFF, s13;
	s18 =	sshll.u32 @!p1 s12, $0x13;
	s19 =	sshll.u32 @!p1 s11, $0x7  }
0x22: {  	s20 =	sshll.u32 @!p1 s10, $0x4;
	s17 =	sshll.u32 @!p1 s17, $0xD;
	s18 =	sadd.s32 @!p1 s4, s18  }
0x23: {  	s20 =	sand.u32 @!p1 $0x70, s20;
	s17 =	sand.u32 @!p1 $0x2000, s17;
	s18 =	sadd.s32 @!p1 s19, s18  }
0x24: {  	s19 =	simm.s32 @!p1 $0x40;
	s18 =	sadd.s32 @!p1 s20, s18;
	s20 =	simm.s32 @!p1 $0x400  }
0x25: {  	[tilespmem:s17], [sflag:$0x1] =	stream.strided.gather @!p1 [hbm4b:s18+s19], $0x2000, s20, s19, $0x38;
	[tilespmem:$0x8080] =	vst v63  }
0x26: {  	p1 =	sge.u32 s31, s7  }
.Ltmp2:
0x27: {  	_ = 	snop;
	(pc) =	sbr.rel @p1 .LBB1_5-.Ltmp2, $1  }
0x28: {  	_ =	sdelay $0x3  }
0x29: {  	s17 =	simm.s32 $0x1  }
0x2a: {  	_ =	swait.ge [sflag:s6], $0x2000;
	s17 =	simm.s32 @!p0 $0x0  }
0x2b: {  	[sflag:s6] =	ssyncset.done $0x0;
	s18 =	sshll.u32 s17, $0xD  }
0x2c: {  	[sflag:s6] =	ssyncadd.s32 $0xFFFFE000;
	s21 =	sor.u32 $0x20, s18  }
0x2d: {  	s17 =	smul.u32 $0x8100, s17;
	v3 =	vld [tilespmem:s21+$0x10]  }
0x2e: {  	s30 =	sand.u32 $0x1, s13;
	v2 =	vld [tilespmem:s21+$0xFFFFFFF0]  }
0x2f: {  	s18 =	smul.u32 $0x8100, s30;
	s17 =	sshrl.u32 s17, $0x2;
	v0 =	vld [tilespmem:s21+$0x0]  }
0x30: {  	v1 =	vld [tilespmem:s21+$0xFFFFFFE0];
	s19 =	sor.u32 $0x4000, s17  }
0x31: {  	s31 =	sshrl.u32 s18, $0x2;
	s18 =	sadd.s32 $0x0, s19  }
0x32: {  	s20 =	simm.s32 $0x4;
	s21 =	sadd.s32 $0x40, s21;
	s17 =	sor.u32 $0x4000, s31;
	[tilespmem:s18+$0x1830 ss:$0x81] =	vst.msk $0xffff, v3  }
.LBB1_3:
0x33: {  	v3 =	vld [tilespmem:s21+$0x10];
	p1 =	sne.s32 s20, $0x1FC;
	[tilespmem:s18+$0x810 ss:$0x81] =	vst.msk $0xffff, v2;
	s22 =	smov.u32 s20;
	s20 =	sadd.s32 $0x4, s20  }
.Ltmp3:
0x34: {  	v2 =	vld [tilespmem:s21+$0xFFFFFFF0];
	[tilespmem:s18+$0x1020 ss:$0x81] =	vst.msk $0xffff, v0;
	(pc) =	sbr.rel @p1 .LBB1_3-.Ltmp3, $4  }
0x35: {  	v0 =	vld [tilespmem:s21+$0x0];
	[tilespmem:s18+$0x0 ss:$0x81] =	vst.msk $0xffff, v1  }
0x36: {  	s18 =	sshra.s32 s22, $0x2;
	v1 =	vld [tilespmem:s21+$0xFFFFFFE0]  }
0x37: {  	s18 =	sadd.s32 s18, s19  }
0x38: {  	s21 =	sadd.s32 $0x40, s21;
	[tilespmem:s18+$0x1830 ss:$0x81] =	vst.msk $0xffff, v3  }
.Ltmp4:
0x39: {  	_ = 	snop;
	(pc) =	sbr.rel .LBB1_4-.Ltmp4, $1  }
0x3a: {  	_ =	sdelay $0x3  }
.LBB1_6:
0x3b: {  	_ =	sfence.sel $0x180000  }
0x3c: {  	s2 =	simm.s32 $0x1;
	[bflag:$0x0] =	sbarrier.arrive $0xFFFF  }
0x3d: {  	s31 =	simm.s32 $0x2;
	[sflag:s2] =	ssyncpa.u1 $0x1  }
0x3e: {  	[sflag:s31] =	ssyncpa.u1 $0x1  }
0x3f: {  	p0 =	sne.s32 s0, $0x0;
	_ =	strace $0x9000004A  }
0x40: {  	s0 =	sadd.s32 @!p0 $0x100000, s1;
	[bflag:$0x2] =	sbarrier.arrive $0xFFFF  }
0x41: {  	[sflag:s0] =	ssyncadd.tile.s32 @!p0 $0x1;
	_ =	shalt  }
.Lfunc_end1:
_tile_overlayer_lowered:
.L_overlay_start_2:
0x42: {  	(tag) =	ssettag $0x2  }
0x43: {  	s0 =	rddreg [dreg:$0x0];
	s2 =	stileid.u32  }
0x44: {  	s1 =	rddreg [dreg:$0x1];
	p0 =	sne.s32 s2, $0x0  }
0x45: {  	s3 =	rddreg [dreg:$0x2];
	[bflag:$0x3] =	sbarrier.arrive $0xFFFF;
	s2 =	simm.s32 @!p0 $0x1C01  }
0x46: {  	[timem:s3], [sflag:s2] =	dma.local @!p0 [hbm:s0], s1  }
0x47: {  	s0 =	simm.s32 @!p0 $0x1  }
0x48: {  	_ =	swait.ge @!p0 [sflag:s0], s1  }
0x49: {  	s1 =	ssub.s32 @!p0 $0x0, s1;
	[sflag:s0] =	ssyncset.done @!p0 $0x0  }
0x4a: {  	[sflag:s0] =	ssyncadd.s32 @!p0 s1  }
0x4b: {  	[bflag:$0x3] =	sbarrier.arrive $0xFFFF  }
0x4c: {  	_ =	shalt  }

</sc_bundles>
